<compile_context>
chip_gen: v7x
topology: tpu7x:2x2x1
jax: 0.10.2.dev20260603
libtpu: 0.0.44.dev20260713+nightly
codegen_flags: <defaults>
</compile_context>

<pallas_src>
import functools

import jax
import jax.numpy as jnp
from jax import lax
from jax.experimental import pallas as pl
from jax.experimental.pallas import tpu as pltpu
from jax.experimental.pallas import tpu_sc as plsc

R = 224
K = 512
D = 64 * (R // 16) * (R // 16)
N = 8
D_CHUNK = 1792
N_CHUNKS = D // D_CHUNK


def _vq_dist_body(z_ref, w_ref, j_ref, loss_ref, score_ref, zsq_ref):
    i = pl.program_id(0)

    @pl.when(i == 0)
    def _init():
        score_ref[...] = jnp.zeros_like(score_ref)
        zsq_ref[...] = jnp.zeros_like(zsq_ref)

    z = z_ref[...]
    w = w_ref[...]
    g = lax.dot_general(
        z, w, (((1,), (1,)), ((), ())),
        precision=lax.Precision.HIGHEST,
        preferred_element_type=jnp.float32,
    )
    wsq = jnp.sum(w * w, axis=1)
    score_ref[...] += wsq[None, :] - 2.0 * g
    zsq_ref[:, 0:1] += jnp.sum(z * z, axis=1, keepdims=True)

    @pl.when(i == N_CHUNKS - 1)
    def _finish():
        score = score_ref[...]
        minv = jnp.min(score, axis=1, keepdims=True)
        idx = lax.broadcasted_iota(jnp.int32, (N, K), 1)
        j = jnp.min(jnp.where(score == minv, idx, K), axis=1, keepdims=True)
        j_ref[...] = jnp.broadcast_to(j, (N, 128))
        zsq = zsq_ref[:, 0:1]
        loss_ref[...] = (jnp.sum(zsq + minv) / N).reshape(1, 1)


def _vq_dist(z, w):
    return pl.pallas_call(
        _vq_dist_body,
        grid=(N_CHUNKS,),
        in_specs=[
            pl.BlockSpec((N, D_CHUNK), lambda i: (0, i)),
            pl.BlockSpec((K, D_CHUNK), lambda i: (0, i)),
        ],
        out_specs=[
            pl.BlockSpec((N, 128), lambda i: (0, 0)),
            pl.BlockSpec((1, 1), lambda i: (0, 0)),
        ],
        out_shape=[
            jax.ShapeDtypeStruct((N, 128), jnp.int32),
            jax.ShapeDtypeStruct((1, 1), jnp.float32),
        ],
        scratch_shapes=[
            pltpu.VMEM((N, K), jnp.float32),
            pltpu.VMEM((N, 128), jnp.float32),
        ],
    )(z, w)


def _sc_gather(w, j):
    mesh = plsc.VectorSubcoreMesh(core_axis_name="c", subcore_axis_name="s")

    @functools.partial(
        pl.kernel,
        mesh=mesh,
        out_type=jax.ShapeDtypeStruct((N, D), jnp.float32),
        scratch_types=[
            pltpu.VMEM((N,), jnp.int32),
            pltpu.VMEM((N, D), jnp.float32),
            pltpu.SemaphoreType.DMA,
        ],
    )
    def gather_k(w_hbm, idx_hbm, out_hbm, idx_v, rows_v, sem):
        wid = lax.axis_index("s") * 2 + lax.axis_index("c")

        @pl.when(wid == 0)
        def _():
            pltpu.sync_copy(idx_hbm, idx_v)
            pltpu.async_copy(w_hbm.at[idx_v], rows_v, sem).wait()
            pltpu.sync_copy(rows_v, out_hbm)

    return gather_k(w, j)


def _conv2d(x, w, b, stride, pad):
    out = lax.conv_general_dilated(
        x, jnp.transpose(w, (2, 3, 1, 0)), (stride, stride),
        ((pad, pad), (pad, pad)),
        dimension_numbers=("NHWC", "HWIO", "NHWC"))
    return out + b[None, None, None, :]


def _bn(x, g, b, eps=1e-5):
    m = jnp.mean(x, axis=(0, 1, 2), keepdims=True)
    v = jnp.mean(x * x, axis=(0, 1, 2), keepdims=True) - m * m
    scale = g[None, None, None, :] / jnp.sqrt(v + eps)
    return x * scale + (b[None, None, None, :] - m * scale)


def _lrelu(x):
    return jnp.where(x >= 0, x, 0.01 * x)


def _up(x):
    return jnp.repeat(jnp.repeat(x, 2, axis=1), 2, axis=2)


def _s2d_conv(x, w, b):
    n, hh, ww, c = x.shape
    o = w.shape[0]
    xb = x.reshape(n, hh // 2, 2, ww // 2, 2, c)
    xb = jnp.transpose(xb, (0, 1, 3, 2, 4, 5)).reshape(n, hh // 2, ww // 2, 4 * c)
    wp = jnp.pad(w, ((0, 0), (0, 0), (1, 1), (1, 1)))
    k = wp.reshape(o, c, 3, 2, 3, 2)
    k = jnp.transpose(k, (2, 4, 3, 5, 1, 0)).reshape(3, 3, 4 * c, o)
    y = lax.conv_general_dilated(
        xb, k, (1, 1), ((1, 1), (1, 1)),
        dimension_numbers=("NHWC", "HWIO", "NHWC"))
    return y + b[None, None, None, :]


def _encoder(x, p):
    x = _lrelu(_bn(_conv2d(x, p['w_e1'], p['b_e1'], 2, 1), p['g_e1'], p['bb_e1']))
    x = _lrelu(_bn(_s2d_conv(x, p['w_e2'], p['b_e2']), p['g_e2'], p['bb_e2']))
    x = _lrelu(_bn(_s2d_conv(x, p['w_e3'], p['b_e3']), p['g_e3'], p['bb_e3']))
    x = _lrelu(_bn(_s2d_conv(x, p['w_e4'], p['b_e4']), p['g_e4'], p['bb_e4']))
    x = _lrelu(_bn(_conv2d(x, p['w_e5'], p['b_e5'], 1, 0), p['g_e5'], p['bb_e5']))
    return x


def _decoder(z, p):
    x = z
    x = _lrelu(_bn(_conv2d(x, p['w_d0'], p['b_d0'], 1, 0), p['g_d0'], p['bb_d0']))
    x = _dec_layer(x, p['w_d1'], p['b_d1'], p['g_d1'], p['bb_d1'])
    x = _dec_layer(x, p['w_d2'], p['b_d2'], p['g_d2'], p['bb_d2'])
    x = _dec_layer(x, p['w_d3'], p['b_d3'], p['g_d3'], p['bb_d3'])
    y = jax.nn.sigmoid(_up_conv_packed(x, p['w_d4'], p['b_d4']))
    n, hb, wb, _ = y.shape
    y = y.reshape(n, hb, wb, 2, 2, 3)
    return jnp.transpose(y, (0, 5, 1, 3, 2, 4)).reshape(-1, 3, R, R)


def _phase_kernel(w):
    o_, i_, _, _ = w.shape
    z = jnp.zeros_like(w[:, :, 0:1, :])
    ra0 = jnp.concatenate([w[:, :, 0:1], w[:, :, 1:2] + w[:, :, 2:3], z], axis=2)
    ra1 = jnp.concatenate([z, w[:, :, 0:1] + w[:, :, 1:2], w[:, :, 2:3]], axis=2)

    def cols(wr):
        zc = jnp.zeros_like(wr[:, :, :, 0:1])
        c0 = jnp.concatenate([wr[:, :, :, 0:1], wr[:, :, :, 1:2] + wr[:, :, :, 2:3], zc], axis=3)
        c1 = jnp.concatenate([zc, wr[:, :, :, 0:1] + wr[:, :, :, 1:2], wr[:, :, :, 2:3]], axis=3)
        return c0, c1

    k00, k01 = cols(ra0)
    k10, k11 = cols(ra1)
    k = jnp.stack([k00, k01, k10, k11], axis=0)
    k = jnp.transpose(k, (3, 4, 2, 0, 1)).reshape(3, 3, i_, 4 * o_)
    return k


def _up_conv_packed_nobias(x, w):
    y = lax.conv_general_dilated(
        x.astype(jnp.bfloat16), _phase_kernel(w).astype(jnp.bfloat16),
        (1, 1), ((1, 1), (1, 1)),
        dimension_numbers=("NHWC", "HWIO", "NHWC"),
        preferred_element_type=jnp.float32)
    return y


def _up_conv_packed(x, w, b):
    return _up_conv_packed_nobias(x, w) + jnp.tile(b, 4)[None, None, None, :]


def _shuffle(y, o_):
    n, h, w_sp, _ = y.shape
    y = y.reshape(n, h, w_sp, 2, 2, o_)
    return jnp.transpose(y, (0, 1, 3, 2, 4, 5)).reshape(n, 2 * h, 2 * w_sp, o_)


def _dec_layer(x, w, b, g, bb, eps=1e-5):
    o_ = w.shape[0]
    yp = _up_conv_packed_nobias(x, w)
    m4 = jnp.mean(yp, axis=(0, 1, 2))
    e2 = jnp.mean(yp * yp, axis=(0, 1, 2))
    m = jnp.mean(m4.reshape(4, o_), axis=0)
    v = jnp.mean(e2.reshape(4, o_), axis=0) - m * m
    scale = g / jnp.sqrt(v + eps)
    shift = bb - m * scale
    s4 = jnp.tile(scale, 4)[None, None, None, :]
    t4 = jnp.tile(shift, 4)[None, None, None, :]
    yn = yp * s4 + t4
    yn = _lrelu(yn).astype(jnp.bfloat16)
    return _shuffle(yn, o_)


def kernel(x, params):
    xh = jnp.transpose(x, (0, 2, 3, 1))
    ze = _encoder(xh, params)
    n, h, w_, c = ze.shape
    z = ze.reshape(-1, D)
    wdict = params['dict']

    j_out, loss = _vq_dist(z, wdict)
    j = j_out[:, 0]

    wj = _sc_gather(wdict, j)

    ze2 = wj.reshape(n, h, w_, c)
    recon = _decoder(ze2, params)
    loss_s = loss[0, 0]
    return recon, loss_s, loss_s

# --- scband reference (transcript-rebuilt; emitter-appended) ---
"""Pipeline reference for scband-net-17660905521910 (READ-ONLY COPY).

The authoritative reference and input builder live on the scoring server;
editing this copy changes nothing except your own understanding.
"""

import jax, jax.numpy as jnp
import numpy as np

R = 224
K = 512
D = 64 * (R // 16) * (R // 16)


def conv2d(x, w, b, stride, pad):
    out = jax.lax.conv_general_dilated(x, w, (stride, stride), ((pad, pad), (pad, pad)), dimension_numbers=('NCHW', 'OIHW', 'NCHW'))
    return out + b[None, :, None, None]


def bn(x, g, b, eps=1e-5):
    m = jnp.mean(x, axis=(0, 2, 3), keepdims=True)
    v = jnp.var(x, axis=(0, 2, 3), keepdims=True)
    return g[None, :, None, None] * (x - m) / jnp.sqrt(v + eps) + b[None, :, None, None]


def lrelu(x):
    return jnp.where(x >= 0, x, 0.01 * x)


def up(x):
    return jnp.repeat(jnp.repeat(x, 2, axis=2), 2, axis=3)


def encoder(x, p):
    x = lrelu(bn(conv2d(x, p['w_e1'], p['b_e1'], 2, 1), p['g_e1'], p['bb_e1']))
    x = lrelu(bn(conv2d(x, p['w_e2'], p['b_e2'], 2, 1), p['g_e2'], p['bb_e2']))
    x = lrelu(bn(conv2d(x, p['w_e3'], p['b_e3'], 2, 1), p['g_e3'], p['bb_e3']))
    x = lrelu(bn(conv2d(x, p['w_e4'], p['b_e4'], 2, 1), p['g_e4'], p['bb_e4']))
    x = lrelu(bn(conv2d(x, p['w_e5'], p['b_e5'], 1, 0), p['g_e5'], p['bb_e5']))
    return x


def decoder(z, p):
    x = z.reshape(-1, 64, R // 16, R // 16)
    x = lrelu(bn(conv2d(x, p['w_d0'], p['b_d0'], 1, 0), p['g_d0'], p['bb_d0']))
    x = lrelu(bn(conv2d(up(x), p['w_d1'], p['b_d1'], 1, 1), p['g_d1'], p['bb_d1']))
    x = lrelu(bn(conv2d(up(x), p['w_d2'], p['b_d2'], 1, 1), p['g_d2'], p['bb_d2']))
    x = lrelu(bn(conv2d(up(x), p['w_d3'], p['b_d3'], 1, 1), p['g_d3'], p['bb_d3']))
    x = jax.nn.sigmoid(conv2d(up(x), p['w_d4'], p['b_d4'], 1, 1))
    return x.reshape(-1, 3, R, R)


def forward(x, params):
    Ze = encoder(x, params)
    sz = Ze.shape
    Zp = jnp.transpose(Ze, (0, 2, 3, 1))
    Z = Zp.reshape(-1, D)
    W = params['dict']
    dist = jnp.sum((Z[:, None, :] - W[None, :, :]) ** 2, axis=2)
    j = jnp.argmin(dist, axis=1)
    Wj = jnp.take(W, j, axis=0)
    Z_sg = jax.lax.stop_gradient(Z)
    Wj_sg = jax.lax.stop_gradient(Wj)
    Ze2 = jnp.transpose(Wj.reshape(sz[0], sz[2], sz[3], sz[1]), (0, 3, 1, 2))
    recon = decoder(Ze2, params)
    commit = jnp.mean(jnp.sum((Z - Wj_sg) ** 2, axis=1))
    codebook = jnp.mean(jnp.sum((Z_sg - Wj) ** 2, axis=1))
    return recon, commit, codebook


def setup_inputs(seed: int = 0) -> dict:
    key = jax.random.key(seed)
    ks = jax.random.split(key, 24)
    conv_defs = [('e1', (32, 3, 4, 4)), ('e2', (64, 32, 4, 4)), ('e3', (128, 64, 4, 4)), ('e4', (256, 128, 4, 4)), ('e5', (64, 256, 1, 1)), ('d0', (256, 64, 1, 1)), ('d1', (128, 256, 3, 3)), ('d2', (64, 128, 3, 3)), ('d3', (32, 64, 3, 3)), ('d4', (3, 32, 3, 3))]
    params = {}
    for i, (name, shape) in enumerate(conv_defs):
        fan_in = shape[1] * shape[2] * shape[3]
        params['w_' + name] = jax.random.normal(ks[i], shape, jnp.float32) / np.float32(np.sqrt(fan_in))
        params['b_' + name] = jnp.zeros((shape[0],), jnp.float32)
        if name != 'd4':
            params['g_' + name] = jnp.ones((shape[0],), jnp.float32)
            params['bb_' + name] = jnp.zeros((shape[0],), jnp.float32)
    params['dict'] = jax.random.uniform(ks[20], (K, D), jnp.float32, minval=-1.0 / K, maxval=1.0 / K)
    x = jax.random.normal(ks[21], (8, 3, R, R), jnp.float32)
    return {'x': x, 'params': params}


def reference(x, params):
    return forward(x, params)

if __name__ == "__main__":
    import jax
    _d = setup_inputs()
    print(jax.jit(kernel)(*tuple(_d.values())))

</pallas_src>

<mosaic_0001>
#map = affine_map<(d0, d1) -> (0, 0)>
#map1 = affine_map<(d0, d1) -> (0)>
module attributes {stable_mosaic.version = 14 : i64} {
  func.func @gather_k(%arg0: i32, %arg1: i32, %arg2: memref<512x12544xf32, #tpu.memory_space<hbm>>, %arg3: memref<8xi32, #tpu.memory_space<hbm>>, %arg4: memref<8x12544xf32, #tpu.memory_space<hbm>>, %arg5: memref<8xi32, #tpu.memory_space<vmem>>, %arg6: memref<8x12544xf32, #tpu.memory_space<vmem>>, %arg7: memref<!tpu.dma_semaphore, #tpu.memory_space<semaphore_mem>>) attributes {dimension_semantics = [#tpu.dimension_semantics<core_parallel>, #tpu.dimension_semantics<subcore_parallel>], iteration_bounds = array<i64: 2, 16>, scalar_prefetch = 0 : i64, scratch_operands = 3 : i64, tpu.core_type = #tpu.core_type<sc_vector_subcore>, window_params = [{transform_indices = #map}, {transform_indices = #map1}, {transform_indices = #map}]} {
    %mul3A = arith.constant 2 : i32
    %mul3A_0 = arith.muli %arg1, %mul3A : i32
    %add3A = arith.addi %mul3A_0, %arg0 : i32
    %eq3A = arith.constant 0 : i32
    %eq3A_1 = arith.cmpi eq, %add3A, %eq3A : i32
    %convert_element_type3A = arith.extui %eq3A_1 : i1 to i32
    %cond3A = arith.constant 0 : i32
    %cond3A_2 = arith.cmpi ne, %convert_element_type3A, %cond3A : i32
    scf.if %cond3A_2 {
      "tpu.region"() ({
        %run_scoped3A = tpu.sem_alloc : memref<!tpu.dma_semaphore, #tpu.memory_space<semaphore_mem>>
        tpu.enqueue_dma source(%arg3 : memref<8xi32, #tpu.memory_space<hbm>>) target(%arg5 : memref<8xi32, #tpu.memory_space<vmem>>) target_semaphore(%run_scoped3A : memref<!tpu.dma_semaphore, #tpu.memory_space<semaphore_mem>>)
        tpu.wait_dma2 semaphore(%run_scoped3A : memref<!tpu.dma_semaphore, #tpu.memory_space<semaphore_mem>>) src(%arg3 : memref<8xi32, #tpu.memory_space<hbm>>) dst(%arg5 : memref<8xi32, #tpu.memory_space<vmem>>)
        tpu.yield
      }) : () -> ()
      %dma_start3A = arith.constant 0 : i32
      %dma_start3A_3 = arith.constant 0 : i32
      %dma_start3A_4 = tpu.memref_slice %arg2[%dma_start3A, %dma_start3A_3] : memref<512x12544xf32, #tpu.memory_space<hbm>> -> memref<512x12544xf32, #tpu.memory_space<hbm>>
      tpu.enqueue_indirect_dma source(%dma_start3A_4 : memref<512x12544xf32, #tpu.memory_space<hbm>>) target(%arg6 : memref<8x12544xf32, #tpu.memory_space<vmem>>) offsets(%arg5 : memref<8xi32, #tpu.memory_space<vmem>>) semaphore(%arg7 : memref<!tpu.dma_semaphore, #tpu.memory_space<semaphore_mem>>)
      %dma_wait3A = arith.constant 0 : i32
      %dma_wait3A_5 = arith.constant 0 : i32
      %dma_wait3A_6 = tpu.memref_slice %arg2[%dma_wait3A, %dma_wait3A_5] : memref<512x12544xf32, #tpu.memory_space<hbm>> -> memref<512x12544xf32, #tpu.memory_space<hbm>>
      tpu.wait_indirect_dma semaphore(%arg7 : memref<!tpu.dma_semaphore, #tpu.memory_space<semaphore_mem>>) src(%dma_wait3A_6 : memref<512x12544xf32, #tpu.memory_space<hbm>>) dst(%arg6 : memref<8x12544xf32, #tpu.memory_space<vmem>>)
      "tpu.region"() ({
        %run_scoped3A = tpu.sem_alloc : memref<!tpu.dma_semaphore, #tpu.memory_space<semaphore_mem>>
        tpu.enqueue_dma source(%arg6 : memref<8x12544xf32, #tpu.memory_space<vmem>>) target(%arg4 : memref<8x12544xf32, #tpu.memory_space<hbm>>) target_semaphore(%run_scoped3A : memref<!tpu.dma_semaphore, #tpu.memory_space<semaphore_mem>>)
        tpu.wait_dma2 semaphore(%run_scoped3A : memref<!tpu.dma_semaphore, #tpu.memory_space<semaphore_mem>>) src(%arg6 : memref<8x12544xf32, #tpu.memory_space<vmem>>) dst(%arg4 : memref<8x12544xf32, #tpu.memory_space<hbm>>)
        tpu.yield
      }) : () -> ()
    } else {
    }
    return
  }
}

module attributes {stable_mosaic.version = 14 : i64} {
  func.func @_vq_dist_body(%arg0: i32, %arg1: memref<8x1792xf32, #tpu.memory_space<vmem>>, %arg2: memref<512x1792xf32, #tpu.memory_space<vmem>>, %arg3: memref<8x128xi32, #tpu.memory_space<vmem>>, %arg4: memref<1x1xf32, #tpu.memory_space<vmem>>, %arg5: memref<8x512xf32, #tpu.memory_space<vmem>>, %arg6: memref<8x128xf32, #tpu.memory_space<vmem>>) attributes {dimension_semantics = [#tpu.dimension_semantics<arbitrary>], iteration_bounds = array<i64: 7>, scalar_prefetch = 0 : i64, scratch_operands = 2 : i64, tpu.core_type = #tpu.core_type<tc>, window_params = [{transform_indices = @transform_0, window_bounds = array<i64: 8, 1792>}, {transform_indices = @transform_1, window_bounds = array<i64: 512, 1792>}, {pipeline_mode = #tpu.pipeline_mode<synchronous>, transform_indices = @transform_2, window_bounds = array<i64: 8, 128>}, {pipeline_mode = #tpu.pipeline_mode<synchronous>, transform_indices = @transform_3, window_bounds = array<i64: 1, 1>}]} {
    %eq3A = arith.constant 0 : i32
    %eq3A_0 = arith.cmpi eq, %arg0, %eq3A : i32
    %convert_element_type3A = arith.extui %eq3A_0 : i1 to i32
    %cond3A = arith.constant 0 : i32
    %cond3A_1 = arith.cmpi ne, %convert_element_type3A, %cond3A : i32
    scf.if %cond3A_1 {
      %broadcast_in_dim3A_34 = arith.constant 0.000000e+00 : f32
      %broadcast_in_dim3A_35 = vector.broadcast %broadcast_in_dim3A_34 : f32 to vector<8x512xf32>
      %swap3A_36 = arith.constant 0 : index
      %swap3A_37 = arith.constant 0 : index
      %swap3A_38 = vector.load %arg5[%swap3A_36, %swap3A_37] : memref<8x512xf32, #tpu.memory_space<vmem>>, vector<8x512xf32>
      tpu.vector_store %arg5[%swap3A_36, %swap3A_37], %broadcast_in_dim3A_35 {strides = array<i32>} : memref<8x512xf32, #tpu.memory_space<vmem>>, vector<8x512xf32>,
      %broadcast_in_dim3A_39 = arith.constant 0.000000e+00 : f32
      %broadcast_in_dim3A_40 = vector.broadcast %broadcast_in_dim3A_39 : f32 to vector<8x128xf32>
      %swap3A_41 = arith.constant 0 : index
      %swap3A_42 = arith.constant 0 : index
      %swap3A_43 = vector.load %arg6[%swap3A_41, %swap3A_42] : memref<8x128xf32, #tpu.memory_space<vmem>>, vector<8x128xf32>
      tpu.vector_store %arg6[%swap3A_41, %swap3A_42], %broadcast_in_dim3A_40 {strides = array<i32>} : memref<8x128xf32, #tpu.memory_space<vmem>>, vector<8x128xf32>,
    } else {
    }
    %get3A = arith.constant 0 : index
    %get3A_2 = arith.constant 0 : index
    %get3A_3 = vector.load %arg1[%get3A, %get3A_2] : memref<8x1792xf32, #tpu.memory_space<vmem>>, vector<8x1792xf32>
    %get3A_4 = arith.constant 0 : index
    %get3A_5 = arith.constant 0 : index
    %get3A_6 = vector.load %arg2[%get3A_4, %get3A_5] : memref<512x1792xf32, #tpu.memory_space<vmem>>, vector<512x1792xf32>
    %dot_general3A = arith.constant dense<0.000000e+00> : vector<8x512xf32>
    %dot_general3A_7 = tpu.matmul %get3A_3, %get3A_6, %dot_general3A {dimension_numbers = #tpu.dot_dimension_numbers<[1], [1], [0], [0], [0, 0, 1, 0], [], []>, precision = #tpu.contract_precision<fp32>, transpose_lhs_hint = false} : vector<8x1792xf32>, vector<512x1792xf32>, vector<8x512xf32> -> vector<8x512xf32>
    %mul3A = arith.mulf %get3A_6, %get3A_6 : vector<512x1792xf32>
    %reduce_sum3A = arith.constant dense<0.000000e+00> : vector<512xf32>
    %reduce_sum3A_8 = vector.multi_reduction <add>, %mul3A, %reduce_sum3A [1] : vector<512x1792xf32> to vector<512xf32>
    %get3A_9 = arith.constant 0 : index
    %get3A_10 = arith.constant 0 : index
    %get3A_11 = vector.load %arg5[%get3A_9, %get3A_10] : memref<8x512xf32, #tpu.memory_space<vmem>>, vector<8x512xf32>
    %broadcast_in_dim3A = vector.shape_cast %reduce_sum3A_8 : vector<512xf32> to vector<1x512xf32>
    %mul3A_12 = arith.constant 2.000000e+00 : f32
    %mul3A_13 = vector.broadcast %mul3A_12 : f32 to vector<8x512xf32>
    %mul3A_14 = arith.mulf %mul3A_13, %dot_general3A_7 : vector<8x512xf32>
    %sub3A = vector.broadcast %broadcast_in_dim3A : vector<1x512xf32> to vector<8x512xf32>
    %sub3A_15 = arith.subf %sub3A, %mul3A_14 : vector<8x512xf32>
    %add3A = arith.addf %get3A_11, %sub3A_15 : vector<8x512xf32>
    %swap3A = arith.constant 0 : index
    %swap3A_16 = arith.constant 0 : index
    %swap3A_17 = vector.load %arg5[%swap3A, %swap3A_16] : memref<8x512xf32, #tpu.memory_space<vmem>>, vector<8x512xf32>
    tpu.vector_store %arg5[%swap3A, %swap3A_16], %add3A {strides = array<i32>} : memref<8x512xf32, #tpu.memory_space<vmem>>, vector<8x512xf32>,
    %get3A_18 = arith.constant 0 : index
    %get3A_19 = arith.constant 0 : index
    %get3A_20 = vector.load %arg6[%get3A_18, %get3A_19] : memref<8x128xf32, #tpu.memory_space<vmem>>, vector<8x1xf32>
    %mul3A_21 = arith.mulf %get3A_3, %get3A_3 : vector<8x1792xf32>
    %reduce_sum3A_22 = arith.constant dense<0.000000e+00> : vector<8xf32>
    %reduce_sum3A_23 = vector.multi_reduction <add>, %mul3A_21, %reduce_sum3A_22 [1] : vector<8x1792xf32> to vector<8xf32>
    %broadcast_in_dim3A_24 = vector.shape_cast %reduce_sum3A_23 : vector<8xf32> to vector<8x1xf32>
    %add3A_25 = arith.addf %get3A_20, %broadcast_in_dim3A_24 : vector<8x1xf32>
    %swap3A_26 = arith.constant 0 : index
    %swap3A_27 = arith.constant 0 : index
    %swap3A_28 = vector.load %arg6[%swap3A_26, %swap3A_27] : memref<8x128xf32, #tpu.memory_space<vmem>>, vector<8x1xf32>
    tpu.vector_store %arg6[%swap3A_26, %swap3A_27], %add3A_25 {strides = array<i32>} : memref<8x128xf32, #tpu.memory_space<vmem>>, vector<8x1xf32>,
    %eq3A_29 = arith.constant 6 : i32
    %eq3A_30 = arith.cmpi eq, %arg0, %eq3A_29 : i32
    %convert_element_type3A_31 = arith.extui %eq3A_30 : i1 to i32
    %cond3A_32 = arith.constant 0 : i32
    %cond3A_33 = arith.cmpi ne, %convert_element_type3A_31, %cond3A_32 : i32
    scf.if %cond3A_33 {
      %get3A_34 = arith.constant 0 : index
      %get3A_35 = arith.constant 0 : index
      %get3A_36 = vector.load %arg5[%get3A_34, %get3A_35] : memref<8x512xf32, #tpu.memory_space<vmem>>, vector<8x512xf32>
      %reduce_min3A = arith.constant dense<0x7F800000> : vector<8xf32>
      %reduce_min3A_37 = vector.multi_reduction <minimumf>, %get3A_36, %reduce_min3A [1] : vector<8x512xf32> to vector<8xf32>
      %broadcast_in_dim3A_38 = vector.shape_cast %reduce_min3A_37 : vector<8xf32> to vector<8x1xf32>
      %iota3A = tpu.iota {dimensions = array<i32: 1>} : vector<8x512xi32>
      %eq3A_39 = vector.broadcast %broadcast_in_dim3A_38 : vector<8x1xf32> to vector<8x512xf32>
      %eq3A_40 = arith.cmpf oeq, %get3A_36, %eq3A_39 : vector<8x512xf32>
      %jit3A = arith.constant 512 : i32
      %broadcast_in_dim3A_41 = vector.broadcast %jit3A : i32 to vector<8x512xi32>
      %select_n3A = arith.select %eq3A_40, %iota3A, %broadcast_in_dim3A_41 : vector<8x512xi1>, vector<8x512xi32>
      %reduce_min3A_42 = arith.constant dense<2147483647> : vector<8xi32>
      %reduce_min3A_43 = vector.multi_reduction <minsi>, %select_n3A, %reduce_min3A_42 [1] : vector<8x512xi32> to vector<8xi32>
      %broadcast_in_dim3A_44 = vector.shape_cast %reduce_min3A_43 : vector<8xi32> to vector<8x1xi32>
      %broadcast_in_dim3A_45 = vector.shape_cast %broadcast_in_dim3A_44 : vector<8x1xi32> to vector<8x1xi32>
      %broadcast_in_dim3A_46 = vector.broadcast %broadcast_in_dim3A_45 : vector<8x1xi32> to vector<8x128xi32>
      %swap3A_47 = arith.constant 0 : index
      %swap3A_48 = arith.constant 0 : index
      %swap3A_49 = vector.load %arg3[%swap3A_47, %swap3A_48] : memref<8x128xi32, #tpu.memory_space<vmem>>, vector<8x128xi32>
      tpu.vector_store %arg3[%swap3A_47, %swap3A_48], %broadcast_in_dim3A_46 {strides = array<i32>} : memref<8x128xi32, #tpu.memory_space<vmem>>, vector<8x128xi32>,
      %get3A_50 = arith.constant 0 : index
      %get3A_51 = arith.constant 0 : index
      %get3A_52 = vector.load %arg6[%get3A_50, %get3A_51] : memref<8x128xf32, #tpu.memory_space<vmem>>, vector<8x1xf32>
      %add3A_53 = arith.addf %get3A_52, %broadcast_in_dim3A_38 : vector<8x1xf32>
      %reduce_sum3A_54 = vector.shape_cast %add3A_53 : vector<8x1xf32> to vector<1x8x1xf32>
      %reduce_sum3A_55 = arith.constant dense<0.000000e+00> : vector<1xf32>
      %reduce_sum3A_56 = vector.multi_reduction <add>, %reduce_sum3A_54, %reduce_sum3A_55 [1, 2] : vector<1x8x1xf32> to vector<1xf32>
      %reduce_sum3A_57 = vector.shape_cast %reduce_sum3A_56 : vector<1xf32> to vector<1x1x1xf32>
      %reduce_sum3A_58 = vector.extract %reduce_sum3A_57[0, 0, 0] : f32 from vector<1x1x1xf32>
      %div3A = arith.constant 8.000000e+00 : f32
      %div3A_59 = arith.divf %reduce_sum3A_58, %div3A : f32
      %reshape3A = vector.broadcast %div3A_59 : f32 to vector<1x1xf32>
      %swap3A_60 = arith.constant 0 : index
      %swap3A_61 = arith.constant 0 : index
      %swap3A_62 = vector.load %arg4[%swap3A_60, %swap3A_61] : memref<1x1xf32, #tpu.memory_space<vmem>>, vector<1x1xf32>
      tpu.vector_store %arg4[%swap3A_60, %swap3A_61], %reshape3A {strides = array<i32>} : memref<1x1xf32, #tpu.memory_space<vmem>>, vector<1x1xf32>,
    } else {
    }
    return
  }
  func.func @transform_0(%arg0: i32) -> (i32, i32) {
    %c0_i32 = arith.constant 0 : i32
    %c0_i32_0 = arith.constant 0 : i32
    return %c0_i32, %arg0 : i32, i32
  }
  func.func @transform_1(%arg0: i32) -> (i32, i32) {
    %c0_i32 = arith.constant 0 : i32
    %c0_i32_0 = arith.constant 0 : i32
    return %c0_i32, %arg0 : i32, i32
  }
  func.func @transform_2(%arg0: i32) -> (i32, i32) {
    %c0_i32 = arith.constant 0 : i32
    %c0_i32_0 = arith.constant 0 : i32
    %c0_i32_1 = arith.constant 0 : i32
    return %c0_i32, %c0_i32_0 : i32, i32
  }
  func.func @transform_3(%arg0: i32) -> (i32, i32) {
    %c0_i32 = arith.constant 0 : i32
    %c0_i32_0 = arith.constant 0 : i32
    %c0_i32_1 = arith.constant 0 : i32
    return %c0_i32, %c0_i32_0 : i32, i32
  }
}

</mosaic_0001>

<sc_bundles>
// kernel: kernel.4.cloned.1.call-start
scs
__scs_entry_jumppad:
0x0: {  	(pc) =	sbr.rel $0x88, $3  }
0x1: {  	(tag) =	ssettag $0x0;
	lr =	simm.s32 $0x1  }
0x2: {  	[smem:$0x3F7C] =	sst lr;
	_ =	strace $0xD0000000  }
0x3: {  	_ = 	snop  }
0x4: {  	_ = 	snop  }
0x5: {  	_ = 	snop  }
0x6: {  	_ = 	snop  }
0x7: {  	_ = 	snop  }
__scs_overlays_trampoline_lowered:
0x8: {  	[smem:$0x3F8B] =	sst s0  }
0x9: {  	[smem:$0x3F8C] =	sst s1  }
0xa: {  	[smem:$0x3F8D] =	sst s2  }
0xb: {  	[smem:$0x3F8E] =	sst s3  }
0xc: {  	[smem:$0x3F8F] =	sst s4  }
0xd: {  	[smem:$0x3F90] =	sst s5  }
0xe: {  	[smem:$0x3F91] =	sst s6  }
0xf: {  	[smem:$0x3F92] =	sst s7  }
0x10: {  	[smem:$0x3F93] =	sst s8  }
0x11: {  	[smem:$0x3F94] =	sst s9;
	s0 =	simm.s32 @!p0 $0x0  }
0x12: {  	s1 =	sld [smem:$0x3F7A];
	s0 =	simm.s32 @p0 $0x1  }
0x13: {  	[smem:$0x3F95] =	sst s0;
	s0 =	simm.s32 @!p1 $0x0  }
0x14: {  	s2 =	sld [smem:$0x3F79];
	s0 =	simm.s32 @p1 $0x1  }
0x15: {  	[smem:$0x3F96] =	sst s0;
	s0 =	simm.s32 @!p2 $0x0  }
0x16: {  	s3 =	sld [smem:$0x3FDB];
	s0 =	simm.s32 @p2 $0x1  }
0x17: {  	s4 =	simm.s32 $0x1BF5;
	[smem:$0x3F98] =	sst s0  }
0x18: {  	s0 =	sld [smem:$0x3F7B];
	_ =	swait.ge [sflag:s4], $0x0  }
0x19: {  	s7 =	sld [smem:$0x3F7C]  }
0x1a: {  	s8 =	sadd.s32 $0xFFFFE003, lr  }
0x1b: {  	s9 =	sadd.s32 $0xFFFFFEF7, lr;
	s5 =	simm.s32 $0xFFFFFFFF;
	p2 =	slt.u32 s8, $0xFFFFF086  }
0x1c: {  	p1 =	slt.u32 s9, $0xF7A;
	s5 =	simm.s32 @!p2 $0x0  }
0x1d: {  	s5 =	simm.s32 @p1 $0x1;
	p0 =	seq.s32 s7, s2  }
0x1e: {  	s7 =	smul.u32 @!p0 $0xF7A, s2;
	p2 =	seq.s32 @!p0 s5, $0x0  }
0x1f: {  	s9 =	smul.u32 $0xF7A, s1;
	s8 =	simm.s32 @!p0 $0x1BF5;
	p2 =	por !p2, p0  }
0x20: {  	[sflag:s8] =	ssyncset.s32 @!p0 $0xFFFFF086;
	s6 =	sadd.s32 @!p0 s3, s7;
	s7 =	simm.s32 @!p0 $0x108  }
0x21: {  	s3 =	sadd.s32 s3, s9;
	s6 =	sadd.s32 @!p0 $0x88, s6;
	s7 =	simm.s32 @p2 $0x1082  }
0x22: {  	[simem:s7], [sflag:s8] =	dma.local @!p0 [hbm:s6], $0xF7A  }
0x23: {  	s9 =	sor.u32 $0xD0000000, s2;
	s6 =	simm.s32 $0x108;
	_ =	swait.ge @!p0 [sflag:s8], $0x0  }
0x24: {  	s3 =	sadd.s32 $0x88, s3;
	s6 =	simm.s32 @!p1 $0x1082;
	[sflag:s4] =	ssyncset.s32 $0xFFFFF086  }
0x25: {  	[simem:s6], [sflag:s4] =	dma.local [hbm:s3], $0xF7A  }
0x26: {  	[smem:$0x3F7C] =	sst s1;
	(tag) =	ssettag s2;
	_ =	strace s9  }
0x27: {  	s1 =	sld [smem:$0x3F8C]  }
0x28: {  	s2 =	sld [smem:$0x3F8D]  }
0x29: {  	s4 =	sld [smem:$0x3F8F]  }
0x2a: {  	p0 =	seq.s32 s5, $0x0;
	s5 =	sld [smem:$0x3F90]  }
0x2b: {  	s6 =	sld [smem:$0x3F91]  }
0x2c: {  	s7 =	sld [smem:$0x3F92]  }
0x2d: {  	s3 =	simm.s32 $0x108;
	s8 =	sld [smem:$0x3F93]  }
0x2e: {  	s3 =	simm.s32 @!p0 $0x1082;
	s9 =	sld [smem:$0x3F94]  }
0x2f: {  	lr =	sadd.s32 s0, s3;
	s0 =	sld [smem:$0x3F8B]  }
0x30: {  	s3 =	sld [smem:$0x3F8E]  }
0x31: {  	[smem:$0x3F97] =	sst s10  }
0x32: {  	s10 =	sld [smem:$0x3F95];
	_ =	sdelay $0x3  }
0x33: {  	p0 =	seq.s32 s10, $0x1;
	s10 =	sld [smem:$0x3F97];
	_ =	sdelay $0x3  }
0x34: {  	[smem:$0x3F97] =	sst s10  }
0x35: {  	s10 =	sld [smem:$0x3F96];
	_ =	sdelay $0x3  }
0x36: {  	p1 =	seq.s32 s10, $0x1;
	s10 =	sld [smem:$0x3F97];
	_ =	sdelay $0x3  }
0x37: {  	[smem:$0x3F97] =	sst s10  }
0x38: {  	s10 =	sld [smem:$0x3F98]  }
0x39: {  	_ = 	snop;
	(pc) =	sbr.ind lr, $3  }
0x3a: {  	_ = 	snop  }
0x3b: {  	_ = 	snop  }
0x3c: {  	p2 =	seq.s32 s10, $0x1;
	s10 =	sld [smem:$0x3F97]  }
0x3d: {  	_ =	shalt  }
0x3e: {  	_ =	shalt  }
0x3f: {  	_ =	shalt  }
0x40: {  	_ =	shalt  }
0x41: {  	_ =	shalt  }
0x42: {  	_ =	shalt  }
0x43: {  	_ =	shalt  }
0x44: {  	_ =	shalt  }
0x45: {  	_ =	shalt  }
0x46: {  	_ =	shalt  }
0x47: {  	_ =	shalt  }
0x48: {  	_ =	shalt  }
0x49: {  	_ =	shalt  }
0x4a: {  	_ =	shalt  }
0x4b: {  	_ =	shalt  }
0x4c: {  	_ =	shalt  }
0x4d: {  	_ =	shalt  }
0x4e: {  	_ =	shalt  }
0x4f: {  	_ =	shalt  }
0x50: {  	_ =	shalt  }
0x51: {  	_ =	shalt  }
0x52: {  	_ =	shalt  }
0x53: {  	_ =	shalt  }
0x54: {  	_ =	shalt  }
0x55: {  	_ =	shalt  }
0x56: {  	_ =	shalt  }
0x57: {  	_ =	shalt  }
0x58: {  	_ =	shalt  }
0x59: {  	_ =	shalt  }
0x5a: {  	_ =	shalt  }
0x5b: {  	_ =	shalt  }
0x5c: {  	_ =	shalt  }
0x5d: {  	_ =	shalt  }
0x5e: {  	_ =	shalt  }
0x5f: {  	_ =	shalt  }
0x60: {  	_ =	shalt  }
0x61: {  	_ =	shalt  }
0x62: {  	_ =	shalt  }
0x63: {  	_ =	shalt  }
0x64: {  	_ =	shalt  }
0x65: {  	_ =	shalt  }
0x66: {  	_ =	shalt  }
0x67: {  	_ =	shalt  }
0x68: {  	_ =	shalt  }
0x69: {  	_ =	shalt  }
0x6a: {  	_ =	shalt  }
0x6b: {  	_ =	shalt  }
0x6c: {  	_ =	shalt  }
0x6d: {  	_ =	shalt  }
0x6e: {  	_ =	shalt  }
0x6f: {  	_ =	shalt  }
0x70: {  	_ =	shalt  }
0x71: {  	_ =	shalt  }
0x72: {  	_ =	shalt  }
0x73: {  	_ =	shalt  }
0x74: {  	_ =	shalt  }
0x75: {  	_ =	shalt  }
0x76: {  	_ =	shalt  }
0x77: {  	_ =	shalt  }
0x78: {  	_ =	shalt  }
0x79: {  	_ =	shalt  }
0x7a: {  	_ =	shalt  }
0x7b: {  	_ =	shalt  }
0x7c: {  	_ =	shalt  }
0x7d: {  	_ =	shalt  }
0x7e: {  	_ =	shalt  }
0x7f: {  	_ =	shalt  }
0x80: {  	_ =	shalt  }
0x81: {  	_ =	shalt  }
0x82: {  	_ =	shalt  }
0x83: {  	_ =	shalt  }
0x84: {  	_ =	shalt  }
0x85: {  	_ =	shalt  }
0x86: {  	_ =	shalt  }
0x87: {  	_ =	shalt  }
.Lfunc_end0:
.L_simem_size_0:
called_computation_lowered:
.L_overlay_start_0:
0x88: {  	s2 =	sld [smem:$0x3FD9]  }
0x89: {  	s3 =	sld [smem:$0x3FFE];
	_ =	sdelay $0x1  }
0x8a: {  	s1 =	srdreg.scid  }
0x8b: {  	s0 =	sand.u32 $0x1, s1  }
0x8c: {  	s15 =	sshll.u32 s0, $0xA;
	s2 =	sadd.s32 s3, s2  }
0x8d: {  	s2 =	sadd.s32 s2, s15  }
0x8e: {  	[smem:$0x3FA3] =	sst s2  }
0x8f: {  	_ = 	snop  }
0x90: {  	s2 =	sld [smem:$0x3FD0];
	_ =	sdelay $0x2  }
0x91: {  	s4 =	simm.s32 $0xA;
	s5 =	simm.s32 $0x10;
	s16 =	sld [smem:$0x3FB8]  }
0x92: {  	[smem:s5], [sflag:s4] =	dma.local [hbm:s2], $0x1  }
0x93: {  	_ =	swait.eq [sflag:s4], $0x1  }
0x94: {  	[sflag:s4] =	ssyncset.done $0x0  }
0x95: {  	s17 =	sld [smem:$0x10];
	[sflag:s4] =	ssyncadd.s32 $0xFFFFFFFF  }
0x96: {  	s18 =	sld [smem:$0x12];
	(tm) =	ssettm $0x1  }
0x97: {  	s19 =	sld [smem:$0x3FFB];
	_ =	sdelay $0x3  }
0x98: {  	_ =	strace s19  }
0x99: {  	s5 =	sld [smem:$0x3FFC];
	_ =	sdelay $0x3  }
0x9a: {  	_ =	strace s5  }
0x9b: {  	s5 =	sld [smem:$0x3FFD];
	_ =	sdelay $0x3  }
0x9c: {  	_ =	strace s5  }
0x9d: {  	_ =	strace $0x8FFFFFFF  }
0x9e: {  	s20 =	sld [smem:$0x3FDB];
	_ =	sdelay $0x1  }
0x9f: {  	s6 =	simm.s32 $_scs_section_size  }
0xa0: {  	s7 =	simm.s32 $_size__tile_overlayer_lowered;
	s8 =	simm.s32 $_tile_overlayer_lowered  }
0xa1: {  	s23 =	simm.s32 $0x1BFF;
	s22 =	sshll.u32 s8, $0x1;
	s5 =	sadd.s32 s6, s20  }
0xa2: {  	s9 =	simm.s32 $0x0;
	s21 =	sshll.u32 s7, $0x1;
	s7 =	sadd.s32 s22, s5  }
0xa3: {  	[timem:s9], [sflag:s23] =	dma.local [hbm:s7], s21  }
0xa4: {  	_ =	swait.ge [sflag:s23], s21  }
0xa5: {  	s6 =	ssub.s32 $0x0, s21;
	[sflag:s23] =	ssyncset.done $0x0  }
0xa6: {  	[sflag:s23] =	ssyncadd.s32 s6;
	_ =	sdelay $0x1  }
0xa7: {  	s24 =	simm.s32 $0x1B8B  }
0xa8: {  	_ =	swait.ge [sflag:s24], $0x1  }
0xa9: {  	[sflag:s24] =	ssyncset.done $0x0  }
0xaa: {  	s25 =	simm.s32 $0x1B8E;
	[sflag:s24] =	ssyncadd.s32 $0xFFFFFFFF  }
0xab: {  	s26 =	simm.s32 $execute0_lowered;
	[smem:$0x3FD2] =	sst s25  }
0xac: {  	s6 =	sshll.u32 s26, $0x1;
	_ =	strace $0x80000046;
	[dreg:$0x1] =	wrdreg $0xFFFFFFFF  }
0xad: {  	s28 =	simm.s32 $_size_execute0_lowered;
	s5 =	sadd.s32 s5, s6;
	[dreg:$0x0] =	wrdreg $0x0  }
0xae: {  	s6 =	sshll.u32 s28, $0x1;
	[dreg:$0x2] =	wrdreg s5  }
0xaf: {  	[dreg:$0x3] =	wrdreg s6  }
0xb0: {  	[dreg:$0x4] =	wrdreg $0xC0  }
0xb1: {  	_ =	task [dreg:s9], $0x5FFFF  }
0xb2: {  	[dreg:$0x1] =	wrdreg $0xFFFFFFFF  }
0xb3: {  	[dreg:$0x0] =	wrdreg $0x60  }
0xb4: {  	[dreg:$0x2] =	wrdreg s16  }
0xb5: {  	[dreg:$0x3] =	wrdreg s18  }
0xb6: {  	[dreg:$0x4] =	wrdreg s17  }
0xb7: {  	[dreg:$0x5] =	wrdreg $0x9  }
0xb8: {  	_ =	task.clear_ibuf [dreg:s9], $0x6FFFF;
	_ =	strace $0x90000046  }
0xb9: {  	s29 =	simm.s32 $0x9;
	_ =	strace $0x80000048  }
0xba: {  	_ =	swait.ge [sflag:s29], $0x1  }
0xbb: {  	[sflag:s29] =	ssyncadd.s32 $0xFFFFFFFF  }
0xbc: {  	_ =	strace $0x90000048  }
0xbd: {  	_ =	sfence  }
0xbe: {  	s30 =	sld [smem:$0x0];
	_ =	sdelay $0x2  }
0xbf: {  	s31 =	sshll.u32 s1, $0xD;
	s1 =	sshrl.u32 s1, $0x2  }
0xc0: {  	s3 =	sand.u32 $0x4000, s31;
	s1 =	sadd.s32 s1, s30  }
0xc1: {  	s0 =	sor.u32 s3, s0;
	s1 =	sshll.u32 s1, $0x11  }
0xc2: {  	s0 =	sor.u32 s1, s0  }
0xc3: {  	s0 =	sadd.s32 $0x8F2B, s0  }
0xc4: {  	[sflag:s0] =	ssyncadd.remote.s32 $0x1  }
0xc5: {  	_ =	sfence.sel $0xFFFF  }
0xc6: {  	[dreg:$0x0] =	wrdreg $0xFFFFFFFF;
	(pc) =	sbr.abs _section_cstart, $3  }
0xc7: {  	[dreg:$0x1] =	wrdreg $0xFFFFFFFF  }
0xc8: {  	_ =	task.clear_ibuf [dreg:s9], $0x2FFFF;
	_ =	strace $0x9FFFFFFF  }
0xc9: {  	(tm) =	ssettm $0x7FFFFFFF  }
tec
execute0_lowered:
.L_overlay_start_1:
0x0: {  	(tag) =	ssettag $0x1  }
0x1: {  	s29 =	srdreg.scid  }
0x2: {  	s2 =	stileid.u32;
	s21 =	sand.u32 $0x1, s29  }
0x3: {  	s30 =	sshll.u32 s2, $0x1;
	s31 =	ssub.s32 $0x0, s21  }
0x4: {  	p0 =	sne.s32 s30, s31  }
.Ltmp0:
0x5: {  	s0 =	rddreg [dreg:$0x1];
	(pc) =	sbr.rel @p0 .LBB2_5-.Ltmp0, $4  }
0x6: {  	s1 =	rddreg [dreg:$0x2]  }
0x7: {  	[dreg:$0x4] =	wrdreg s0  }
0x8: {  	[dreg:$0x5] =	wrdreg s1  }
0x9: {  	s3 =	rddreg [dreg:$0x3];
	_ =	strace $0x80000047  }
0xa: {  	s5 =	rddreg [dreg:$0x0]  }
0xb: {  	s0 =	sadd.s32 $0x100, s5  }
0xc: {  	s11 =	sadd.s32 $0x200, s5;
	[dreg:$0x6] =	wrdreg s0  }
0xd: {  	s12 =	sadd.s32 $0x300, s5;
	[dreg:$0x7] =	wrdreg s11  }
0xe: {  	s13 =	sadd.s32 $0x400, s5;
	[dreg:$0x8] =	wrdreg s12  }
0xf: {  	s14 =	sadd.s32 $0x500, s5;
	[dreg:$0x9] =	wrdreg s13  }
0x10: {  	s15 =	sadd.s32 $0x600, s5;
	[dreg:$0xa] =	wrdreg s14  }
0x11: {  	s16 =	sadd.s32 $0x700, s5;
	[dreg:$0xb] =	wrdreg s15  }
0x12: {  	s17 =	sadd.s32 $0x800, s5;
	[dreg:$0xc] =	wrdreg s16  }
0x13: {  	s18 =	sadd.s32 $0x900, s5;
	[dreg:$0xd] =	wrdreg s17  }
0x14: {  	s19 =	sadd.s32 $0xA00, s5;
	[dreg:$0xe] =	wrdreg s18  }
0x15: {  	s20 =	sadd.s32 $0xB00, s5;
	[dreg:$0xf] =	wrdreg s19  }
0x16: {  	s22 =	sadd.s32 $0xC00, s5;
	[dreg:$0x10] =	wrdreg s20  }
0x17: {  	s23 =	sadd.s32 $0xD00, s5;
	[dreg:$0x11] =	wrdreg s22  }
0x18: {  	s24 =	sadd.s32 $0xE00, s5;
	[dreg:$0x12] =	wrdreg s23  }
0x19: {  	s25 =	sadd.s32 $0xF00, s5;
	[dreg:$0x13] =	wrdreg s24  }
0x1a: {  	s26 =	sadd.s32 $0x1000, s5;
	[dreg:$0x14] =	wrdreg s25  }
0x1b: {  	s28 =	sadd.s32 $0x1100, s5;
	[dreg:$0x15] =	wrdreg s26  }
0x1c: {  	s29 =	sadd.s32 $0x1200, s5;
	[dreg:$0x16] =	wrdreg s28  }
0x1d: {  	s31 =	sadd.s32 $0x1300, s5;
	[dreg:$0x17] =	wrdreg s29  }
0x1e: {  	s1 =	sadd.s32 $0x1400, s5;
	[dreg:$0x18] =	wrdreg s31  }
0x1f: {  	s2 =	sadd.s32 $0x1500, s5;
	[dreg:$0x19] =	wrdreg s1  }
0x20: {  	s3 =	sadd.s32 $0x1600, s5;
	[dreg:$0x1a] =	wrdreg s2  }
0x21: {  	s4 =	sadd.s32 $0x1700, s5;
	[dreg:$0x1b] =	wrdreg s3  }
0x22: {  	s6 =	sadd.s32 $0x1800, s5;
	[dreg:$0x1c] =	wrdreg s4  }
0x23: {  	s7 =	sadd.s32 $0x1900, s5;
	[dreg:$0x1d] =	wrdreg s6  }
0x24: {  	s8 =	sadd.s32 $0x1A00, s5;
	[dreg:$0x1e] =	wrdreg s7  }
0x25: {  	s9 =	sadd.s32 $0x1B00, s5;
	[dreg:$0x1f] =	wrdreg s8  }
0x26: {  	s10 =	sadd.s32 $0x1C00, s5;
	[smem:$0x7E8] =	sst s9  }
0x27: {  	[smem:$0x7E9] =	sst s10;
	s11 =	sadd.s32 $0x1D00, s5  }
0x28: {  	s12 =	sadd.s32 $0x1E00, s5;
	[smem:$0x7EA] =	sst s11  }
0x29: {  	s13 =	sadd.s32 $0x1F00, s5;
	[smem:$0x7EB] =	sst s12  }
0x2a: {  	s14 =	sadd.s32 $0x2000, s5;
	[smem:$0x7EC] =	sst s13  }
0x2b: {  	s15 =	sadd.s32 $0x2100, s5;
	[smem:$0x7ED] =	sst s14  }
0x2c: {  	s16 =	sadd.s32 $0x2200, s5;
	[smem:$0x7EE] =	sst s15  }
0x2d: {  	s17 =	sadd.s32 $0x2300, s5;
	[smem:$0x7EF] =	sst s16  }
0x2e: {  	s18 =	sadd.s32 $0x2400, s5;
	[smem:$0x7F0] =	sst s17  }
0x2f: {  	s19 =	sadd.s32 $0x2500, s5;
	[smem:$0x7F1] =	sst s18  }
0x30: {  	s20 =	sadd.s32 $0x2600, s5;
	[smem:$0x7F2] =	sst s19  }
0x31: {  	s22 =	sadd.s32 $0x2700, s5;
	[smem:$0x7F3] =	sst s20  }
0x32: {  	s23 =	sadd.s32 $0x2800, s5;
	[smem:$0x7F4] =	sst s22  }
0x33: {  	s24 =	sadd.s32 $0x2900, s5;
	[smem:$0x7F5] =	sst s23  }
0x34: {  	s25 =	sadd.s32 $0x2A00, s5;
	[smem:$0x7F6] =	sst s24  }
0x35: {  	s26 =	sadd.s32 $0x2B00, s5;
	[smem:$0x7F7] =	sst s25  }
0x36: {  	s28 =	sadd.s32 $0x2C00, s5;
	[smem:$0x7F8] =	sst s26  }
0x37: {  	s29 =	sadd.s32 $0x2D00, s5;
	[smem:$0x7F9] =	sst s28  }
0x38: {  	s31 =	sadd.s32 $0x2E00, s5;
	[smem:$0x7FA] =	sst s29  }
0x39: {  	s1 =	sadd.s32 $0x2F00, s5;
	[smem:$0x7FB] =	sst s31  }
0x3a: {  	s2 =	sadd.s32 $0x3000, s5;
	[smem:$0x7FC] =	sst s1  }
0x3b: {  	s3 =	simm.s32 $0x880;
	[smem:$0x7FD] =	sst s2  }
0x3c: {  	s4 =	simm.s32 $0x1080;
	[smem:$0x7D6] =	sst s3  }
0x3d: {  	s6 =	simm.s32 $0x1880;
	[smem:$0x7D7] =	sst s4  }
0x3e: {  	s7 =	simm.s32 $0x2080;
	[smem:$0x7D8] =	sst s6  }
0x3f: {  	s8 =	simm.s32 $0x2880;
	[smem:$0x7D9] =	sst s7  }
0x40: {  	s9 =	simm.s32 $0x3080;
	[smem:$0x7DA] =	sst s8  }
0x41: {  	s10 =	simm.s32 $0x3880;
	[smem:$0x7DB] =	sst s9  }
0x42: {  	[smem:$0x7DC] =	sst s10  }
0x43: {  	s11 =	simm.s32 $0x4080;
	s1 =	rddreg [dreg:$0x4]  }
0x44: {  	s12 =	simm.s32 $0x4880;
	[smem:$0x7DD] =	sst s11  }
0x45: {  	s13 =	simm.s32 $0x5080;
	[smem:$0x7DE] =	sst s12  }
0x46: {  	s14 =	simm.s32 $0x5880;
	[smem:$0x7DF] =	sst s13  }
0x47: {  	s15 =	simm.s32 $0x6080;
	[smem:$0x7E0] =	sst s14  }
0x48: {  	s16 =	simm.s32 $0x6880;
	[smem:$0x7E1] =	sst s15  }
0x49: {  	s17 =	simm.s32 $0x7080;
	[smem:$0x7E2] =	sst s16  }
0x4a: {  	s18 =	simm.s32 $0x7880;
	[smem:$0x7E3] =	sst s17  }
0x4b: {  	s19 =	simm.s32 $0x8080;
	[smem:$0x7E4] =	sst s18  }
0x4c: {  	s20 =	simm.s32 $0x8880;
	[smem:$0x7E5] =	sst s19  }
0x4d: {  	s22 =	simm.s32 $0x9080;
	[smem:$0x7E6] =	sst s20  }
0x4e: {  	s23 =	simm.s32 $0x9880;
	[smem:$0x7E7] =	sst s22  }
0x4f: {  	s24 =	simm.s32 $0xA080;
	[smem:$0x7D5] =	sst s23  }
0x50: {  	s25 =	simm.s32 $0xA880;
	[smem:$0x7D4] =	sst s24  }
0x51: {  	s26 =	simm.s32 $0xB080;
	[smem:$0x7D3] =	sst s25  }
0x52: {  	s28 =	simm.s32 $0xB880;
	[smem:$0x7D2] =	sst s26  }
0x53: {  	s29 =	simm.s32 $0xC080;
	[smem:$0x7D1] =	sst s28  }
0x54: {  	s4 =	simm.s32 $0x0;
	s3 =	simm.s32 $0x2;
	[smem:$0x7D0] =	sst s29  }
0x55: {  	[tilespmem:s4], [sflag:$0x2] =	stream.linear.gather [hbm4b:s1+s4], $0x80, $0x38;
	[tilespmem:$0x18880] =	vst v63  }
0x56: {  	_ =	swait.ge [sflag:s3], $0x80  }
0x57: {  	s0 =	sld [smem:$0x7D0]  }
0x58: {  	s1 =	sld [smem:$0x7D1]  }
0x59: {  	s2 =	sld [smem:$0x7D2]  }
0x5a: {  	s6 =	sld [smem:$0x7D3]  }
0x5b: {  	s7 =	sld [smem:$0x7D4]  }
0x5c: {  	s8 =	sld [smem:$0x7D5]  }
0x5d: {  	s9 =	rddreg [dreg:$0x7]  }
0x5e: {  	[sflag:s3] =	ssyncset.done $0x0;
	s10 =	rddreg [dreg:$0x6]  }
0x5f: {  	s11 =	sld [smem:$0x7D6];
	[sflag:s3] =	ssyncadd.s32 $0xFFFFFF80  }
0x60: {  	s12 =	sld [smem:$0x7D7];
	v0 =	vld.msk [tilespmem:$0x0], $0xff  }
0x61: {  	s13 =	sld [smem:$0x7D8]  }
0x62: {  	s14 =	sld [smem:$0x7D9]  }
0x63: {  	s15 =	sld [smem:$0x7DA]  }
0x64: {  	s16 =	sld [smem:$0x7DB]  }
0x65: {  	s17 =	sld [smem:$0x7DC];
	v1 =	vshrl.u32 v0, $0x3  }
0x66: {  	s18 =	sld [smem:$0x7DD];
	v1 =	vmul.u32 $0x310, v1  }
0x67: {  	v2 =	vlaneseq.u32;
	s19 =	sld [smem:$0x7DE];
	v3 =	vand.u32 $0x7, v0  }
0x68: {  	s20 =	sld [smem:$0x7DF];
	v0 =	vand.u32 $0x7, v2;
	v2 =	vshrl.u32 v2, $0x3;
	v3 =	vor.u32 v3, v1  }
0x69: {  	s22 =	sld [smem:$0x7E0];
	v1 =	vmul.u32 $0x8, v2;
	v2 =	vperm.xlane v3, v0  }
0x6a: {  	s23 =	sld [smem:$0x7E1]  }
0x6b: {  	s24 =	sld [smem:$0x7E2];
	v2 =	vadd.s32 v1, v2  }
0x6c: {  	s25 =	sld [smem:$0x7E3]  }
0x6d: {  	s26 =	sld [smem:$0x7E6]  }
0x6e: {  	s28 =	rddreg [dreg:$0xa]  }
0x6f: {  	vm0 =	vmmov $0xffff;
	s31 =	simm.s32 $0x80;
	s29 =	sld [smem:$0x7E7]  }
0x70: {  	[tilespmem:s31], [sflag:$0x1] =	stream.indirect_vreg.gather [hbm4b:s5+s4], $0x80, v2, vm0, $0xb8;
	[tilespmem:$0x18880] =	vst v63  }
0x71: {  	s3 =	rddreg [dreg:$0x8]  }
0x72: {  	[tilespmem:s11], [sflag:$0x1] =	stream.indirect_vreg.gather [hbm4b:s10+s4], $0x80, v2, vm0, $0xb8;
	[tilespmem:$0x18880] =	vst v63  }
0x73: {  	s5 =	rddreg [dreg:$0x9]  }
0x74: {  	[tilespmem:s12], [sflag:$0x1] =	stream.indirect_vreg.gather [hbm4b:s9+s4], $0x80, v2, vm0, $0xb8;
	[tilespmem:$0x18880] =	vst v63  }
0x75: {  	s31 =	rddreg [dreg:$0xb]  }
0x76: {  	[tilespmem:s13], [sflag:$0x1] =	stream.indirect_vreg.gather [hbm4b:s3+s4], $0x80, v2, vm0, $0xb8;
	[tilespmem:$0x18880] =	vst v63  }
0x77: {  	s10 =	sld [smem:$0x7E4]  }
0x78: {  	[tilespmem:s14], [sflag:$0x1] =	stream.indirect_vreg.gather [hbm4b:s5+s4], $0x80, v2, vm0, $0xb8;
	[tilespmem:$0x18880] =	vst v63  }
0x79: {  	s9 =	sld [smem:$0x7E5]  }
0x7a: {  	[tilespmem:s15], [sflag:$0x1] =	stream.indirect_vreg.gather [hbm4b:s28+s4], $0x80, v2, vm0, $0xb8;
	[tilespmem:$0x18880] =	vst v63  }
0x7b: {  	s3 =	rddreg [dreg:$0xc]  }
0x7c: {  	[tilespmem:s16], [sflag:$0x1] =	stream.indirect_vreg.gather [hbm4b:s31+s4], $0x80, v2, vm0, $0xb8;
	[tilespmem:$0x18880] =	vst v63  }
0x7d: {  	s5 =	rddreg [dreg:$0xd]  }
0x7e: {  	[tilespmem:s17], [sflag:$0x1] =	stream.indirect_vreg.gather [hbm4b:s3+s4], $0x80, v2, vm0, $0xb8;
	[tilespmem:$0x18880] =	vst v63  }
0x7f: {  	s15 =	rddreg [dreg:$0xe]  }
0x80: {  	[tilespmem:s18], [sflag:$0x1] =	stream.indirect_vreg.gather [hbm4b:s5+s4], $0x80, v2, vm0, $0xb8;
	[tilespmem:$0x18880] =	vst v63  }
0x81: {  	s28 =	rddreg [dreg:$0x19]  }
0x82: {  	[tilespmem:s19], [sflag:$0x1] =	stream.indirect_vreg.gather [hbm4b:s15+s4], $0x80, v2, vm0, $0xb8;
	[tilespmem:$0x18880] =	vst v63  }
0x83: {  	s16 =	rddreg [dreg:$0xf]  }
0x84: {  	[tilespmem:s20], [sflag:$0x1] =	stream.indirect_vreg.gather [hbm4b:s16+s4], $0x80, v2, vm0, $0xb8;
	[tilespmem:$0x18880] =	vst v63  }
0x85: {  	s17 =	rddreg [dreg:$0x10]  }
0x86: {  	[tilespmem:s22], [sflag:$0x1] =	stream.indirect_vreg.gather [hbm4b:s17+s4], $0x80, v2, vm0, $0xb8;
	[tilespmem:$0x18880] =	vst v63  }
0x87: {  	s18 =	rddreg [dreg:$0x11]  }
0x88: {  	[tilespmem:s23], [sflag:$0x1] =	stream.indirect_vreg.gather [hbm4b:s18+s4], $0x80, v2, vm0, $0xb8;
	[tilespmem:$0x18880] =	vst v63  }
0x89: {  	s19 =	rddreg [dreg:$0x12]  }
0x8a: {  	[tilespmem:s24], [sflag:$0x1] =	stream.indirect_vreg.gather [hbm4b:s19+s4], $0x80, v2, vm0, $0xb8;
	[tilespmem:$0x18880] =	vst v63  }
0x8b: {  	s20 =	rddreg [dreg:$0x13]  }
0x8c: {  	[tilespmem:s25], [sflag:$0x1] =	stream.indirect_vreg.gather [hbm4b:s20+s4], $0x80, v2, vm0, $0xb8;
	[tilespmem:$0x18880] =	vst v63  }
0x8d: {  	s22 =	rddreg [dreg:$0x14]  }
0x8e: {  	[tilespmem:s10], [sflag:$0x1] =	stream.indirect_vreg.gather [hbm4b:s22+s4], $0x80, v2, vm0, $0xb8;
	[tilespmem:$0x18880] =	vst v63  }
0x8f: {  	s23 =	rddreg [dreg:$0x15]  }
0x90: {  	[tilespmem:s9], [sflag:$0x1] =	stream.indirect_vreg.gather [hbm4b:s23+s4], $0x80, v2, vm0, $0xb8;
	[tilespmem:$0x18880] =	vst v63  }
0x91: {  	s24 =	rddreg [dreg:$0x16]  }
0x92: {  	[tilespmem:s26], [sflag:$0x1] =	stream.indirect_vreg.gather [hbm4b:s24+s4], $0x80, v2, vm0, $0xb8;
	[tilespmem:$0x18880] =	vst v63  }
0x93: {  	s25 =	rddreg [dreg:$0x17]  }
0x94: {  	[tilespmem:s29], [sflag:$0x1] =	stream.indirect_vreg.gather [hbm4b:s25+s4], $0x80, v2, vm0, $0xb8;
	[tilespmem:$0x18880] =	vst v63  }
0x95: {  	s26 =	rddreg [dreg:$0x18]  }
0x96: {  	[tilespmem:s8], [sflag:$0x1] =	stream.indirect_vreg.gather [hbm4b:s26+s4], $0x80, v2, vm0, $0xb8;
	[tilespmem:$0x18880] =	vst v63  }
0x97: {  	s31 =	rddreg [dreg:$0x1b]  }
0x98: {  	[tilespmem:s7], [sflag:$0x1] =	stream.indirect_vreg.gather [hbm4b:s28+s4], $0x80, v2, vm0, $0xb8;
	[tilespmem:$0x18880] =	vst v63  }
0x99: {  	s29 =	rddreg [dreg:$0x1a]  }
0x9a: {  	[tilespmem:s6], [sflag:$0x1] =	stream.indirect_vreg.gather [hbm4b:s29+s4], $0x80, v2, vm0, $0xb8;
	[tilespmem:$0x18880] =	vst v63  }
0x9b: {  	s3 =	rddreg [dreg:$0x1c]  }
0x9c: {  	[tilespmem:s2], [sflag:$0x1] =	stream.indirect_vreg.gather [hbm4b:s31+s4], $0x80, v2, vm0, $0xb8;
	[tilespmem:$0x18880] =	vst v63  }
0x9d: {  	s5 =	rddreg [dreg:$0x1d]  }
0x9e: {  	[tilespmem:s1], [sflag:$0x1] =	stream.indirect_vreg.gather [hbm4b:s3+s4], $0x80, v2, vm0, $0xb8;
	[tilespmem:$0x18880] =	vst v63  }
0x9f: {  	s10 =	sld [smem:$0x7E8]  }
0xa0: {  	[tilespmem:s0], [sflag:$0x1] =	stream.indirect_vreg.gather [hbm4b:s5+s4], $0x80, v2, vm0, $0xb8;
	[tilespmem:$0x18880] =	vst v63  }
0xa1: {  	s7 =	simm.s32 $0xC880;
	s6 =	rddreg [dreg:$0x1e]  }
0xa2: {  	[tilespmem:s7], [sflag:$0x1] =	stream.indirect_vreg.gather [hbm4b:s6+s4], $0x80, v2, vm0, $0xb8;
	[tilespmem:$0x18880] =	vst v63  }
0xa3: {  	s9 =	simm.s32 $0xD080;
	s8 =	rddreg [dreg:$0x1f]  }
0xa4: {  	[tilespmem:s9], [sflag:$0x1] =	stream.indirect_vreg.gather [hbm4b:s8+s4], $0x80, v2, vm0, $0xb8;
	[tilespmem:$0x18880] =	vst v63  }
0xa5: {  	s11 =	simm.s32 $0xD880;
	s12 =	sld [smem:$0x7E9]  }
0xa6: {  	[tilespmem:s11], [sflag:$0x1] =	stream.indirect_vreg.gather [hbm4b:s10+s4], $0x80, v2, vm0, $0xb8;
	[tilespmem:$0x18880] =	vst v63  }
0xa7: {  	s13 =	simm.s32 $0xE080;
	s14 =	sld [smem:$0x7EA]  }
0xa8: {  	[tilespmem:s13], [sflag:$0x1] =	stream.indirect_vreg.gather [hbm4b:s12+s4], $0x80, v2, vm0, $0xb8;
	[tilespmem:$0x18880] =	vst v63  }
0xa9: {  	s15 =	simm.s32 $0xE880;
	s16 =	sld [smem:$0x7EB]  }
0xaa: {  	[tilespmem:s15], [sflag:$0x1] =	stream.indirect_vreg.gather [hbm4b:s14+s4], $0x80, v2, vm0, $0xb8;
	[tilespmem:$0x18880] =	vst v63  }
0xab: {  	s17 =	simm.s32 $0xF080;
	s18 =	sld [smem:$0x7EC]  }
0xac: {  	[tilespmem:s17], [sflag:$0x1] =	stream.indirect_vreg.gather [hbm4b:s16+s4], $0x80, v2, vm0, $0xb8;
	[tilespmem:$0x18880] =	vst v63  }
0xad: {  	s19 =	simm.s32 $0xF880;
	s20 =	sld [smem:$0x7ED]  }
0xae: {  	[tilespmem:s19], [sflag:$0x1] =	stream.indirect_vreg.gather [hbm4b:s18+s4], $0x80, v2, vm0, $0xb8;
	[tilespmem:$0x18880] =	vst v63  }
0xaf: {  	s22 =	simm.s32 $0x10080;
	s23 =	sld [smem:$0x7EE]  }
0xb0: {  	[tilespmem:s22], [sflag:$0x1] =	stream.indirect_vreg.gather [hbm4b:s20+s4], $0x80, v2, vm0, $0xb8;
	[tilespmem:$0x18880] =	vst v63  }
0xb1: {  	s24 =	simm.s32 $0x10880;
	s25 =	sld [smem:$0x7EF]  }
0xb2: {  	[tilespmem:s24], [sflag:$0x1] =	stream.indirect_vreg.gather [hbm4b:s23+s4], $0x80, v2, vm0, $0xb8;
	[tilespmem:$0x18880] =	vst v63  }
0xb3: {  	s26 =	simm.s32 $0x11080;
	s28 =	sld [smem:$0x7F0]  }
0xb4: {  	[tilespmem:s26], [sflag:$0x1] =	stream.indirect_vreg.gather [hbm4b:s25+s4], $0x80, v2, vm0, $0xb8;
	[tilespmem:$0x18880] =	vst v63  }
0xb5: {  	s29 =	simm.s32 $0x11880;
	s31 =	sld [smem:$0x7F1]  }
0xb6: {  	[tilespmem:s29], [sflag:$0x1] =	stream.indirect_vreg.gather [hbm4b:s28+s4], $0x80, v2, vm0, $0xb8;
	[tilespmem:$0x18880] =	vst v63  }
0xb7: {  	s3 =	simm.s32 $0x12080;
	s5 =	sld [smem:$0x7F2]  }
0xb8: {  	[tilespmem:s3], [sflag:$0x1] =	stream.indirect_vreg.gather [hbm4b:s31+s4], $0x80, v2, vm0, $0xb8;
	[tilespmem:$0x18880] =	vst v63  }
0xb9: {  	s6 =	simm.s32 $0x12880;
	s7 =	sld [smem:$0x7F3]  }
0xba: {  	[tilespmem:s6], [sflag:$0x1] =	stream.indirect_vreg.gather [hbm4b:s5+s4], $0x80, v2, vm0, $0xb8;
	[tilespmem:$0x18880] =	vst v63  }
0xbb: {  	s8 =	simm.s32 $0x13080;
	s9 =	sld [smem:$0x7F4]  }
0xbc: {  	[tilespmem:s8], [sflag:$0x1] =	stream.indirect_vreg.gather [hbm4b:s7+s4], $0x80, v2, vm0, $0xb8;
	[tilespmem:$0x18880] =	vst v63  }
0xbd: {  	s10 =	simm.s32 $0x13880;
	s11 =	sld [smem:$0x7F5]  }
0xbe: {  	[tilespmem:s10], [sflag:$0x1] =	stream.indirect_vreg.gather [hbm4b:s9+s4], $0x80, v2, vm0, $0xb8;
	[tilespmem:$0x18880] =	vst v63  }
0xbf: {  	s12 =	simm.s32 $0x14080;
	s13 =	sld [smem:$0x7F6]  }
0xc0: {  	[tilespmem:s12], [sflag:$0x1] =	stream.indirect_vreg.gather [hbm4b:s11+s4], $0x80, v2, vm0, $0xb8;
	[tilespmem:$0x18880] =	vst v63  }
0xc1: {  	s14 =	simm.s32 $0x14880;
	s15 =	sld [smem:$0x7F7];
	s26 =	ssub.s32 $0x2, s21  }
0xc2: {  	[tilespmem:s14], [sflag:$0x1] =	stream.indirect_vreg.gather [hbm4b:s13+s4], $0x80, v2, vm0, $0xb8;
	[tilespmem:$0x18880] =	vst v63  }
0xc3: {  	s16 =	simm.s32 $0x15080;
	s17 =	sld [smem:$0x7F8];
	s29 =	sshrl.u32 s26, $0x1  }
0xc4: {  	[tilespmem:s16], [sflag:$0x1] =	stream.indirect_vreg.gather [hbm4b:s15+s4], $0x80, v2, vm0, $0xb8;
	[tilespmem:$0x18880] =	vst v63  }
0xc5: {  	s18 =	simm.s32 $0x15880;
	s19 =	sld [smem:$0x7F9];
	s0 =	ssub.s32 s26, s29  }
0xc6: {  	[tilespmem:s18], [sflag:$0x1] =	stream.indirect_vreg.gather [hbm4b:s17+s4], $0x80, v2, vm0, $0xb8;
	[tilespmem:$0x18880] =	vst v63  }
0xc7: {  	s20 =	simm.s32 $0x16080;
	s22 =	sld [smem:$0x7FA];
	s0 =	smax.u32 s0, $0x1  }
0xc8: {  	[tilespmem:s20], [sflag:$0x1] =	stream.indirect_vreg.gather [hbm4b:s19+s4], $0x80, v2, vm0, $0xb8;
	[tilespmem:$0x18880] =	vst v63  }
0xc9: {  	s23 =	simm.s32 $0x16880;
	s24 =	sld [smem:$0x7FB];
	p0 =	sne.s32 s0, $0x1  }
0xca: {  	[tilespmem:s23], [sflag:$0x1] =	stream.indirect_vreg.gather [hbm4b:s22+s4], $0x80, v2, vm0, $0xb8;
	[tilespmem:$0x18880] =	vst v63  }
.Ltmp1:
0xcb: {  	_ = 	snop;
	(pc) =	sbr.rel @!p0 .LBB2_4-.Ltmp1, $4  }
0xcc: {  	s30 =	simm.s32 $0x80;
	s25 =	simm.s32 $0x17080;
	s28 =	sld [smem:$0x7FC]  }
0xcd: {  	[tilespmem:s25], [sflag:$0x1] =	stream.indirect_vreg.gather [hbm4b:s24+s4], $0x80, v2, vm0, $0xb8;
	[tilespmem:$0x18880] =	vst v63  }
0xce: {  	s31 =	simm.s32 $0x17880;
	s1 =	sadd.s32 $0xFFFFFFFF, s0;
	s0 =	sld [smem:$0x7FD]  }
0xcf: {  	[tilespmem:s31], [sflag:$0x1] =	stream.indirect_vreg.gather [hbm4b:s28+s4], $0x80, v2, vm0, $0xb8;
	[tilespmem:$0x18880] =	vst v63  }
0xd0: {  	s30 =	simm.s32 $0x80  }
.LBB2_3:
0xd1: {  	s2 =	simm.s32 $0x18080;
	s14 =	simm.s32 $0x1  }
0xd2: {  	[tilespmem:s2], [sflag:$0x1] =	stream.indirect_vreg.gather [hbm4b:s0+s4], $0x80, v2, vm0, $0xb8;
	[tilespmem:$0x18880] =	vst v63  }
0xd3: {  	_ =	swait.ge [sflag:s14], $0x18800  }
0xd4: {  	s3 =	simm.s32 $0x80;
	[sflag:s14] =	ssyncset.done $0x0  }
0xd5: {  	s16 =	simm.s32 $0x2;
	s15 =	rddreg [dreg:$0x5];
	[sflag:s14] =	ssyncadd.s32 $0xFFFE7800  }
0xd6: {  	[hbm4b:s15+s4] =	stream.linear.scatter [tilespmem:s3], [sflag:$0x2], $0x18800, $0x38;
	[tilespmem:$0x18880] =	vst v63  }
0xd7: {  	_ =	swait.ge [sflag:s16], $0x18800  }
0xd8: {  	[sflag:s16] =	ssyncset.done $0x0  }
0xd9: {  	s17 =	rddreg [dreg:$0x4];
	[sflag:s16] =	ssyncadd.s32 $0xFFFE7800  }
0xda: {  	[tilespmem:s4], [sflag:$0x2] =	stream.linear.gather [hbm4b:s17+s4], $0x80, $0x38;
	[tilespmem:$0x18880] =	vst v63  }
0xdb: {  	_ =	swait.ge [sflag:s16], $0x80  }
0xdc: {  	s0 =	rddreg [dreg:$0x1e]  }
0xdd: {  	s2 =	sld [smem:$0x7D0]  }
0xde: {  	s6 =	sld [smem:$0x7D1]  }
0xdf: {  	s7 =	sld [smem:$0x7D2]  }
0xe0: {  	s8 =	sld [smem:$0x7D3]  }
0xe1: {  	s9 =	sld [smem:$0x7D4]  }
0xe2: {  	s10 =	sld [smem:$0x7D5]  }
0xe3: {  	s17 =	rddreg [dreg:$0x6]  }
0xe4: {  	[sflag:s16] =	ssyncset.done $0x0;
	s18 =	sld [smem:$0x7D6]  }
0xe5: {  	s19 =	sld [smem:$0x7D7];
	[sflag:s16] =	ssyncadd.s32 $0xFFFFFF80  }
0xe6: {  	s20 =	sld [smem:$0x7D8];
	v2 =	vld.msk [tilespmem:$0x0], $0xff  }
0xe7: {  	s22 =	sld [smem:$0x7D9]  }
0xe8: {  	s23 =	sld [smem:$0x7DA]  }
0xe9: {  	s24 =	sld [smem:$0x7DB]  }
0xea: {  	s25 =	sld [smem:$0x7DC]  }
0xeb: {  	s26 =	sld [smem:$0x7DD];
	v3 =	vshrl.u32 v2, $0x3  }
0xec: {  	s28 =	sld [smem:$0x7DE];
	v3 =	vmul.u32 $0x310, v3  }
0xed: {  	s29 =	sld [smem:$0x7DF];
	v2 =	vand.u32 $0x7, v2  }
0xee: {  	s21 =	sld [smem:$0x7E0];
	v2 =	vor.u32 v2, v3  }
0xef: {  	s31 =	sld [smem:$0x7E1];
	v2 =	vperm.xlane v2, v0  }
0xf0: {  	s5 =	sld [smem:$0x7E2]  }
0xf1: {  	s15 =	sld [smem:$0x7E3];
	v2 =	vadd.s32 v1, v2  }
0xf2: {  	s14 =	sld [smem:$0x7E4]  }
0xf3: {  	s13 =	sld [smem:$0x7E5]  }
0xf4: {  	s11 =	sld [smem:$0x7E6]  }
0xf5: {  	s12 =	rddreg [dreg:$0x0]  }
0xf6: {  	[tilespmem:s3], [sflag:$0x1] =	stream.indirect_vreg.gather [hbm4b:s12+s4], $0x80, v2, vm0, $0xb8;
	[tilespmem:$0x18880] =	vst v63  }
0xf7: {  	s16 =	rddreg [dreg:$0x7]  }
0xf8: {  	[tilespmem:s18], [sflag:$0x1] =	stream.indirect_vreg.gather [hbm4b:s17+s4], $0x80, v2, vm0, $0xb8;
	[tilespmem:$0x18880] =	vst v63  }
0xf9: {  	s12 =	sld [smem:$0x7E7]  }
0xfa: {  	[tilespmem:s19], [sflag:$0x1] =	stream.indirect_vreg.gather [hbm4b:s16+s4], $0x80, v2, vm0, $0xb8;
	[tilespmem:$0x18880] =	vst v63  }
0xfb: {  	s18 =	rddreg [dreg:$0x8]  }
0xfc: {  	[tilespmem:s20], [sflag:$0x1] =	stream.indirect_vreg.gather [hbm4b:s18+s4], $0x80, v2, vm0, $0xb8;
	[tilespmem:$0x18880] =	vst v63  }
0xfd: {  	s19 =	rddreg [dreg:$0x9]  }
0xfe: {  	[tilespmem:s22], [sflag:$0x1] =	stream.indirect_vreg.gather [hbm4b:s19+s4], $0x80, v2, vm0, $0xb8;
	[tilespmem:$0x18880] =	vst v63  }
0xff: {  	s20 =	rddreg [dreg:$0xa]  }
0x100: {  	[tilespmem:s23], [sflag:$0x1] =	stream.indirect_vreg.gather [hbm4b:s20+s4], $0x80, v2, vm0, $0xb8;
	[tilespmem:$0x18880] =	vst v63  }
0x101: {  	s22 =	rddreg [dreg:$0xb]  }
0x102: {  	[tilespmem:s24], [sflag:$0x1] =	stream.indirect_vreg.gather [hbm4b:s22+s4], $0x80, v2, vm0, $0xb8;
	[tilespmem:$0x18880] =	vst v63  }
0x103: {  	s23 =	rddreg [dreg:$0xc]  }
0x104: {  	[tilespmem:s25], [sflag:$0x1] =	stream.indirect_vreg.gather [hbm4b:s23+s4], $0x80, v2, vm0, $0xb8;
	[tilespmem:$0x18880] =	vst v63  }
0x105: {  	s24 =	rddreg [dreg:$0xd]  }
0x106: {  	[tilespmem:s26], [sflag:$0x1] =	stream.indirect_vreg.gather [hbm4b:s24+s4], $0x80, v2, vm0, $0xb8;
	[tilespmem:$0x18880] =	vst v63  }
0x107: {  	s25 =	rddreg [dreg:$0xe]  }
0x108: {  	[tilespmem:s28], [sflag:$0x1] =	stream.indirect_vreg.gather [hbm4b:s25+s4], $0x80, v2, vm0, $0xb8;
	[tilespmem:$0x18880] =	vst v63  }
0x109: {  	s3 =	rddreg [dreg:$0xf]  }
0x10a: {  	[tilespmem:s29], [sflag:$0x1] =	stream.indirect_vreg.gather [hbm4b:s3+s4], $0x80, v2, vm0, $0xb8;
	[tilespmem:$0x18880] =	vst v63  }
0x10b: {  	s18 =	rddreg [dreg:$0x10]  }
0x10c: {  	[tilespmem:s21], [sflag:$0x1] =	stream.indirect_vreg.gather [hbm4b:s18+s4], $0x80, v2, vm0, $0xb8;
	[tilespmem:$0x18880] =	vst v63  }
0x10d: {  	s19 =	rddreg [dreg:$0x11]  }
0x10e: {  	[tilespmem:s31], [sflag:$0x1] =	stream.indirect_vreg.gather [hbm4b:s19+s4], $0x80, v2, vm0, $0xb8;
	[tilespmem:$0x18880] =	vst v63  }
0x10f: {  	s20 =	rddreg [dreg:$0x12]  }
0x110: {  	[tilespmem:s5], [sflag:$0x1] =	stream.indirect_vreg.gather [hbm4b:s20+s4], $0x80, v2, vm0, $0xb8;
	[tilespmem:$0x18880] =	vst v63  }
0x111: {  	s21 =	rddreg [dreg:$0x13]  }
0x112: {  	[tilespmem:s15], [sflag:$0x1] =	stream.indirect_vreg.gather [hbm4b:s21+s4], $0x80, v2, vm0, $0xb8;
	[tilespmem:$0x18880] =	vst v63  }
0x113: {  	s22 =	rddreg [dreg:$0x14]  }
0x114: {  	[tilespmem:s14], [sflag:$0x1] =	stream.indirect_vreg.gather [hbm4b:s22+s4], $0x80, v2, vm0, $0xb8;
	[tilespmem:$0x18880] =	vst v63  }
0x115: {  	s23 =	rddreg [dreg:$0x15]  }
0x116: {  	[tilespmem:s13], [sflag:$0x1] =	stream.indirect_vreg.gather [hbm4b:s23+s4], $0x80, v2, vm0, $0xb8;
	[tilespmem:$0x18880] =	vst v63  }
0x117: {  	s24 =	rddreg [dreg:$0x16]  }
0x118: {  	[tilespmem:s11], [sflag:$0x1] =	stream.indirect_vreg.gather [hbm4b:s24+s4], $0x80, v2, vm0, $0xb8;
	[tilespmem:$0x18880] =	vst v63  }
0x119: {  	s25 =	rddreg [dreg:$0x17]  }
0x11a: {  	[tilespmem:s12], [sflag:$0x1] =	stream.indirect_vreg.gather [hbm4b:s25+s4], $0x80, v2, vm0, $0xb8;
	[tilespmem:$0x18880] =	vst v63  }
0x11b: {  	s26 =	rddreg [dreg:$0x18]  }
0x11c: {  	[tilespmem:s10], [sflag:$0x1] =	stream.indirect_vreg.gather [hbm4b:s26+s4], $0x80, v2, vm0, $0xb8;
	[tilespmem:$0x18880] =	vst v63  }
0x11d: {  	s28 =	rddreg [dreg:$0x19]  }
0x11e: {  	[tilespmem:s9], [sflag:$0x1] =	stream.indirect_vreg.gather [hbm4b:s28+s4], $0x80, v2, vm0, $0xb8;
	[tilespmem:$0x18880] =	vst v63  }
0x11f: {  	s29 =	rddreg [dreg:$0x1a]  }
0x120: {  	[tilespmem:s8], [sflag:$0x1] =	stream.indirect_vreg.gather [hbm4b:s29+s4], $0x80, v2, vm0, $0xb8;
	[tilespmem:$0x18880] =	vst v63  }
0x121: {  	s31 =	rddreg [dreg:$0x1b]  }
0x122: {  	[tilespmem:s7], [sflag:$0x1] =	stream.indirect_vreg.gather [hbm4b:s31+s4], $0x80, v2, vm0, $0xb8;
	[tilespmem:$0x18880] =	vst v63  }
0x123: {  	s3 =	rddreg [dreg:$0x1c]  }
0x124: {  	[tilespmem:s6], [sflag:$0x1] =	stream.indirect_vreg.gather [hbm4b:s3+s4], $0x80, v2, vm0, $0xb8;
	[tilespmem:$0x18880] =	vst v63  }
0x125: {  	s8 =	rddreg [dreg:$0x1d]  }
0x126: {  	[tilespmem:s2], [sflag:$0x1] =	stream.indirect_vreg.gather [hbm4b:s8+s4], $0x80, v2, vm0, $0xb8;
	[tilespmem:$0x18880] =	vst v63  }
0x127: {  	s11 =	simm.s32 $0xC880;
	s10 =	sld [smem:$0x7E8]  }
0x128: {  	[tilespmem:s11], [sflag:$0x1] =	stream.indirect_vreg.gather [hbm4b:s0+s4], $0x80, v2, vm0, $0xb8;
	[tilespmem:$0x18880] =	vst v63  }
0x129: {  	s13 =	simm.s32 $0xD080;
	s9 =	rddreg [dreg:$0x1f]  }
0x12a: {  	[tilespmem:s13], [sflag:$0x1] =	stream.indirect_vreg.gather [hbm4b:s9+s4], $0x80, v2, vm0, $0xb8;
	[tilespmem:$0x18880] =	vst v63  }
0x12b: {  	s15 =	simm.s32 $0xD880;
	s12 =	sld [smem:$0x7E9]  }
0x12c: {  	[tilespmem:s15], [sflag:$0x1] =	stream.indirect_vreg.gather [hbm4b:s10+s4], $0x80, v2, vm0, $0xb8;
	[tilespmem:$0x18880] =	vst v63  }
0x12d: {  	s17 =	simm.s32 $0xE080;
	s14 =	sld [smem:$0x7EA]  }
0x12e: {  	[tilespmem:s17], [sflag:$0x1] =	stream.indirect_vreg.gather [hbm4b:s12+s4], $0x80, v2, vm0, $0xb8;
	[tilespmem:$0x18880] =	vst v63  }
0x12f: {  	s16 =	sld [smem:$0x7EB];
	s19 =	simm.s32 $0xE880  }
0x130: {  	[tilespmem:s19], [sflag:$0x1] =	stream.indirect_vreg.gather [hbm4b:s14+s4], $0x80, v2, vm0, $0xb8;
	[tilespmem:$0x18880] =	vst v63  }
0x131: {  	s18 =	sld [smem:$0x7EC];
	s21 =	simm.s32 $0xF080  }
0x132: {  	[tilespmem:s21], [sflag:$0x1] =	stream.indirect_vreg.gather [hbm4b:s16+s4], $0x80, v2, vm0, $0xb8;
	[tilespmem:$0x18880] =	vst v63  }
0x133: {  	s20 =	sld [smem:$0x7ED];
	s23 =	simm.s32 $0xF880  }
0x134: {  	[tilespmem:s23], [sflag:$0x1] =	stream.indirect_vreg.gather [hbm4b:s18+s4], $0x80, v2, vm0, $0xb8;
	[tilespmem:$0x18880] =	vst v63  }
0x135: {  	s22 =	sld [smem:$0x7EE];
	s25 =	simm.s32 $0x10080  }
0x136: {  	[tilespmem:s25], [sflag:$0x1] =	stream.indirect_vreg.gather [hbm4b:s20+s4], $0x80, v2, vm0, $0xb8;
	[tilespmem:$0x18880] =	vst v63  }
0x137: {  	s24 =	sld [smem:$0x7EF];
	s28 =	simm.s32 $0x10880  }
0x138: {  	[tilespmem:s28], [sflag:$0x1] =	stream.indirect_vreg.gather [hbm4b:s22+s4], $0x80, v2, vm0, $0xb8;
	[tilespmem:$0x18880] =	vst v63  }
0x139: {  	s26 =	sld [smem:$0x7F0];
	s31 =	simm.s32 $0x11080  }
0x13a: {  	[tilespmem:s31], [sflag:$0x1] =	stream.indirect_vreg.gather [hbm4b:s24+s4], $0x80, v2, vm0, $0xb8;
	[tilespmem:$0x18880] =	vst v63  }
0x13b: {  	s29 =	sld [smem:$0x7F1];
	s7 =	simm.s32 $0x11880  }
0x13c: {  	[tilespmem:s7], [sflag:$0x1] =	stream.indirect_vreg.gather [hbm4b:s26+s4], $0x80, v2, vm0, $0xb8;
	[tilespmem:$0x18880] =	vst v63  }
0x13d: {  	s6 =	sld [smem:$0x7F2];
	s9 =	simm.s32 $0x12080  }
0x13e: {  	[tilespmem:s9], [sflag:$0x1] =	stream.indirect_vreg.gather [hbm4b:s29+s4], $0x80, v2, vm0, $0xb8;
	[tilespmem:$0x18880] =	vst v63  }
0x13f: {  	s8 =	sld [smem:$0x7F3];
	s11 =	simm.s32 $0x12880  }
0x140: {  	[tilespmem:s11], [sflag:$0x1] =	stream.indirect_vreg.gather [hbm4b:s6+s4], $0x80, v2, vm0, $0xb8;
	[tilespmem:$0x18880] =	vst v63  }
0x141: {  	s13 =	simm.s32 $0x13080;
	s10 =	sld [smem:$0x7F4]  }
0x142: {  	[tilespmem:s13], [sflag:$0x1] =	stream.indirect_vreg.gather [hbm4b:s8+s4], $0x80, v2, vm0, $0xb8;
	[tilespmem:$0x18880] =	vst v63  }
0x143: {  	s15 =	simm.s32 $0x13880;
	s12 =	sld [smem:$0x7F5]  }
0x144: {  	[tilespmem:s15], [sflag:$0x1] =	stream.indirect_vreg.gather [hbm4b:s10+s4], $0x80, v2, vm0, $0xb8;
	[tilespmem:$0x18880] =	vst v63  }
0x145: {  	s17 =	simm.s32 $0x14080;
	s14 =	sld [smem:$0x7F6]  }
0x146: {  	[tilespmem:s17], [sflag:$0x1] =	stream.indirect_vreg.gather [hbm4b:s12+s4], $0x80, v2, vm0, $0xb8;
	[tilespmem:$0x18880] =	vst v63  }
0x147: {  	s19 =	simm.s32 $0x14880;
	s16 =	sld [smem:$0x7F7]  }
0x148: {  	[tilespmem:s19], [sflag:$0x1] =	stream.indirect_vreg.gather [hbm4b:s14+s4], $0x80, v2, vm0, $0xb8;
	[tilespmem:$0x18880] =	vst v63  }
0x149: {  	s21 =	simm.s32 $0x15080;
	s18 =	sld [smem:$0x7F8]  }
0x14a: {  	[tilespmem:s21], [sflag:$0x1] =	stream.indirect_vreg.gather [hbm4b:s16+s4], $0x80, v2, vm0, $0xb8;
	[tilespmem:$0x18880] =	vst v63  }
0x14b: {  	s23 =	simm.s32 $0x15880;
	s20 =	sld [smem:$0x7F9]  }
0x14c: {  	[tilespmem:s23], [sflag:$0x1] =	stream.indirect_vreg.gather [hbm4b:s18+s4], $0x80, v2, vm0, $0xb8;
	[tilespmem:$0x18880] =	vst v63  }
0x14d: {  	s25 =	simm.s32 $0x16080;
	s22 =	sld [smem:$0x7FA]  }
0x14e: {  	[tilespmem:s25], [sflag:$0x1] =	stream.indirect_vreg.gather [hbm4b:s20+s4], $0x80, v2, vm0, $0xb8;
	[tilespmem:$0x18880] =	vst v63  }
0x14f: {  	p0 =	sne.s32 s1, $0x1;
	s28 =	simm.s32 $0x16880;
	s24 =	sld [smem:$0x7FB]  }
0x150: {  	[tilespmem:s28], [sflag:$0x1] =	stream.indirect_vreg.gather [hbm4b:s22+s4], $0x80, v2, vm0, $0xb8;
	[tilespmem:$0x18880] =	vst v63  }
.Ltmp2:
0x151: {  	_ = 	snop;
	(pc) =	sbr.rel @p0 .LBB2_3-.Ltmp2, $4  }
0x152: {  	s26 =	sld [smem:$0x7FC];
	s29 =	simm.s32 $0x17080  }
0x153: {  	[tilespmem:s29], [sflag:$0x1] =	stream.indirect_vreg.gather [hbm4b:s24+s4], $0x80, v2, vm0, $0xb8;
	[tilespmem:$0x18880] =	vst v63  }
0x154: {  	s1 =	sadd.s32 $0xFFFFFFFF, s1;
	s0 =	sld [smem:$0x7FD];
	s31 =	simm.s32 $0x17880  }
0x155: {  	[tilespmem:s31], [sflag:$0x1] =	stream.indirect_vreg.gather [hbm4b:s26+s4], $0x80, v2, vm0, $0xb8;
	[tilespmem:$0x18880] =	vst v63  }
.LBB2_4:
0x156: {  	_ =	sdelay $0x2  }
0x157: {  	s1 =	simm.s32 $0x18080;
	s28 =	simm.s32 $0x1  }
0x158: {  	[tilespmem:s1], [sflag:$0x1] =	stream.indirect_vreg.gather [hbm4b:s0+s4], $0x80, v2, vm0, $0xb8;
	[tilespmem:$0x18880] =	vst v63  }
0x159: {  	_ =	swait.ge [sflag:s28], $0x18800  }
0x15a: {  	[sflag:s28] =	ssyncset.done $0x0  }
0x15b: {  	s31 =	simm.s32 $0x2;
	s29 =	rddreg [dreg:$0x5];
	[sflag:s28] =	ssyncadd.s32 $0xFFFE7800  }
0x15c: {  	[hbm4b:s29+s4] =	stream.linear.scatter [tilespmem:s30], [sflag:$0x2], $0x18800, $0x38;
	[tilespmem:$0x18880] =	vst v63  }
0x15d: {  	_ =	swait.ge [sflag:s31], $0x18800  }
0x15e: {  	[sflag:s31] =	ssyncset.done $0x0  }
0x15f: {  	[sflag:s31] =	ssyncadd.s32 $0xFFFE7800  }
0x160: {  	s2 =	stileid.u32;
	s3 =	rddreg [dreg:$0x3]  }
.LBB2_5:
0x161: {  	_ =	sfence.sel $0x180000  }
0x162: {  	[bflag:$0x0] =	sbarrier.arrive $0xFFFF  }
0x163: {  	p0 =	sne.s32 s2, $0x0;
	_ =	strace $0x90000047  }
0x164: {  	s0 =	sadd.s32 @!p0 $0x100000, s3;
	[bflag:$0x2] =	sbarrier.arrive $0xFFFF  }
0x165: {  	[sflag:s0] =	ssyncadd.tile.s32 @!p0 $0x1;
	_ =	shalt  }
.Lfunc_end2:
_tile_overlayer_lowered:
.L_overlay_start_2:
0x166: {  	(tag) =	ssettag $0x2  }
0x167: {  	s0 =	rddreg [dreg:$0x0];
	s2 =	stileid.u32  }
0x168: {  	s1 =	rddreg [dreg:$0x1];
	p0 =	sne.s32 s2, $0x0  }
0x169: {  	s3 =	rddreg [dreg:$0x2];
	[bflag:$0x3] =	sbarrier.arrive $0xFFFF;
	s2 =	simm.s32 @!p0 $0x1C02  }
0x16a: {  	[timem:s3], [sflag:s2] =	dma.local @!p0 [hbm:s0], s1  }
0x16b: {  	s0 =	simm.s32 @!p0 $0x2  }
0x16c: {  	_ =	swait.ge @!p0 [sflag:s0], s1  }
0x16d: {  	s1 =	ssub.s32 @!p0 $0x0, s1;
	[sflag:s0] =	ssyncset.done @!p0 $0x0  }
0x16e: {  	[sflag:s0] =	ssyncadd.s32 @!p0 s1  }
0x16f: {  	[bflag:$0x3] =	sbarrier.arrive $0xFFFF  }
0x170: {  	_ =	shalt  }

</sc_bundles>
